<compile_context>
chip_gen: v7x
topology: tpu7x:2x2x1
jax: 0.10.2.dev20260603
libtpu: 0.0.44.dev20260713+nightly
codegen_flags: <defaults>
</compile_context>

<pallas_src>
import numpy as np
import jax
import jax.numpy as jnp
from jax import lax
from jax.experimental import pallas as pl
from jax.experimental.pallas import tpu as pltpu
from jax.experimental.pallas import tpu_sc as plsc

N = 10000
NPAD = 10240
E = 320000
C = 128
B = 512
NC = 2
NS = 16
NW = NC * NS
ET = E // NW
KE = 80
KE2 = 80
NCH = ET // KE
FCAP = ET + 16
A2R = 640
ROWS_T = NPAD // NW
KA = 80
RPT = NPAD // NS
RB = 512
GRID = NPAD // RB
HI = NPAD // C
EB = 6400
EGRID = E // EB

_MESH = plsc.VectorSubcoreMesh(
    core_axis_name="c", subcore_axis_name="s", num_cores=NC, num_subcores=NS)
_SC_PARAMS = pltpu.CompilerParams(needs_layout_passes=False)


def _enc_gather_body(emb_h, nid_h, sp_h, dp_h,
                     erows_h, fsrc_h, fdst_h, fcnt_h,
                     nidv, rows, sidx, didx, fsb, fdb, cbuf, sem, sem2):
    cid = lax.axis_index("c")
    sid = lax.axis_index("s")
    w = sid * NC + cid
    base = w * ROWS_T
    pltpu.sync_copy(nid_h.at[pl.ds(base, ROWS_T)], nidv)
    for c in range(ROWS_T // KA):
        pltpu.async_copy(
            emb_h.at[nidv.at[pl.ds(c * KA, KA)]],
            rows.at[pl.ds(c * KA, KA)], sem)
    ecp0 = pltpu.async_copy(sp_h.at[pl.ds(w * ET, ET)], sidx, sem2)
    ecp1 = pltpu.async_copy(dp_h.at[pl.ds(w * ET, ET)], didx, sem2)
    for c in range(ROWS_T // KA):
        pltpu.make_async_copy(
            emb_h.at[pl.ds(0, KA)], rows.at[pl.ds(c * KA, KA)], sem).wait()
    pltpu.sync_copy(rows, erows_h.at[pl.ds(base, ROWS_T)])
    ecp0.wait()
    ecp1.wait()

    def fp(k, carry):
        fsb[pl.ds(k * 16, 16)] = jnp.zeros((16,), jnp.int32)
        fdb[pl.ds(k * 16, 16)] = jnp.broadcast_to(B + w, (16,))
        return carry
    lax.fori_loop(0, FCAP // 16, fp, jnp.int32(0))

    def comp(k, cnt):
        sv = sidx[pl.ds(k * 16, 16)]
        dv = didx[pl.ds(k * 16, 16)]
        m = dv < B
        plsc.store_compressed(fsb.at[pl.ds(cnt, 16)], sv, mask=m)
        plsc.store_compressed(fdb.at[pl.ds(cnt, 16)], dv, mask=m)
        return cnt + plsc.all_reduce_population_count(m)[0]

    cnt = lax.fori_loop(0, ET // 16, comp, jnp.int32(0))
    cbuf[...] = jnp.broadcast_to(cnt, (16,))
    pltpu.sync_copy(cbuf, fcnt_h.at[w])
    pltpu.sync_copy(fsb, fsrc_h.at[pl.ds(w * FCAP, FCAP)])
    pltpu.sync_copy(fdb, fdst_h.at[pl.ds(w * FCAP, FCAP)])


@jax.jit
def _enc_gather(emb, nid_p, sp, dp):
    return pl.kernel(
        _enc_gather_body,
        out_type=[
            jax.ShapeDtypeStruct((NPAD, C), jnp.float32),
            jax.ShapeDtypeStruct((NW * FCAP,), jnp.int32),
            jax.ShapeDtypeStruct((NW * FCAP,), jnp.int32),
            jax.ShapeDtypeStruct((NW, 16), jnp.int32),
        ],
        mesh=_MESH,
        scratch_types=[
            pltpu.VMEM((ROWS_T,), jnp.int32),
            pltpu.VMEM((ROWS_T, C), jnp.float32),
            pltpu.VMEM((ET,), jnp.int32),
            pltpu.VMEM((ET,), jnp.int32),
            pltpu.VMEM((FCAP,), jnp.int32),
            pltpu.VMEM((FCAP,), jnp.int32),
            pltpu.VMEM((16,), jnp.int32),
            pltpu.SemaphoreType.DMA,
            pltpu.SemaphoreType.DMA,
        ],
        compiler_params=_SC_PARAMS,
    )(emb, nid_p, sp, dp)


def _msg1_body(hp_h, sp_h, dp_h, zrows_h, part_h, acc,
               sbuf0, dbuf0, sbuf1, dbuf1, rows0, rows1,
               semi0, semi1, sem0, sem1):
    cid = lax.axis_index("c")
    sid = lax.axis_index("s")
    w = sid * NC + cid
    base = w * ET
    pltpu.sync_copy(zrows_h, acc.at[pl.ds(sid * RPT, RPT)])
    plsc.subcore_barrier()

    def loadidx(c, sb, db, semi):
        off = base + c * KE
        pltpu.async_copy(sp_h.at[pl.ds(off, KE)], sb, semi)
        pltpu.async_copy(dp_h.at[pl.ds(off, KE)], db, semi)

    def waitidx(sb, db, semi):
        pltpu.make_async_copy(sp_h.at[pl.ds(0, KE)], sb, semi).wait()
        pltpu.make_async_copy(sp_h.at[pl.ds(0, KE)], db, semi).wait()

    def draingather(rows, sem):
        pltpu.make_async_copy(hp_h.at[pl.ds(0, KE)], rows, sem).wait()

    loadidx(0, sbuf0, dbuf0, semi0)
    waitidx(sbuf0, dbuf0, semi0)
    pltpu.async_copy(hp_h.at[sbuf0], rows0, sem0)
    loadidx(1, sbuf1, dbuf1, semi1)

    def body(g, carry):
        c0 = 2 * g
        waitidx(sbuf1, dbuf1, semi1)
        pltpu.async_copy(hp_h.at[sbuf1], rows1, sem1)
        draingather(rows0, sem0)
        pltpu.sync_copy(rows0, acc.at[dbuf0], add=True)

        @pl.when(c0 + 2 < NCH)
        def _():
            loadidx(c0 + 2, sbuf0, dbuf0, semi0)
            waitidx(sbuf0, dbuf0, semi0)
            pltpu.async_copy(hp_h.at[sbuf0], rows0, sem0)

        draingather(rows1, sem1)
        pltpu.sync_copy(rows1, acc.at[dbuf1], add=True)

        @pl.when(c0 + 3 < NCH)
        def _():
            loadidx(c0 + 3, sbuf1, dbuf1, semi1)
        return carry

    lax.fori_loop(0, NCH // 2, body, jnp.int32(0))
    draingather(rows0, sem0)
    pltpu.sync_copy(rows0, acc.at[dbuf0], add=True)
    plsc.subcore_barrier()
    pltpu.sync_copy(acc.at[pl.ds(sid * RPT, RPT)],
                    part_h.at[cid, pl.ds(sid * RPT, RPT)])


@jax.jit
def _msg1(hp, sp, dp, zrows):
    return pl.kernel(
        _msg1_body,
        out_type=jax.ShapeDtypeStruct((NC, NPAD, C), jnp.float32),
        mesh=_MESH,
        scratch_types=[
            pltpu.VMEM_SHARED((NPAD, C), jnp.float32),
            pltpu.VMEM((KE,), jnp.int32),
            pltpu.VMEM((KE,), jnp.int32),
            pltpu.VMEM((KE,), jnp.int32),
            pltpu.VMEM((KE,), jnp.int32),
            pltpu.VMEM((KE, C), jnp.float32),
            pltpu.VMEM((KE, C), jnp.float32),
            pltpu.SemaphoreType.DMA,
            pltpu.SemaphoreType.DMA,
            pltpu.SemaphoreType.DMA,
            pltpu.SemaphoreType.DMA,
        ],
    )(hp, sp, dp, zrows)


def _msg2_body(h1_h, fsrc_h, fdst_h, fcnt_h, z2_h, part2_h,
               acc2, sbuf0, dbuf0, sbuf1, dbuf1, rows0, rows1, cntv,
               semi0, semi1, sem0, sem1):
    cid = lax.axis_index("c")
    sid = lax.axis_index("s")
    w = sid * NC + cid
    pltpu.sync_copy(z2_h, acc2.at[pl.ds(sid * (A2R // NS), A2R // NS)])
    pltpu.sync_copy(fcnt_h.at[w], cntv)
    plsc.subcore_barrier()
    cnt = cntv[...][0]
    nch = (cnt + (KE2 - 1)) // KE2

    def loadidx(c, sb, db, semi):
        off = w * FCAP + c * KE2
        pltpu.async_copy(fsrc_h.at[pl.ds(off, KE2)], sb, semi)
        pltpu.async_copy(fdst_h.at[pl.ds(off, KE2)], db, semi)

    def waitidx(sb, db, semi):
        pltpu.make_async_copy(fsrc_h.at[pl.ds(0, KE2)], sb, semi).wait()
        pltpu.make_async_copy(fsrc_h.at[pl.ds(0, KE2)], db, semi).wait()

    def draingather(rows, sem):
        pltpu.make_async_copy(h1_h.at[pl.ds(0, KE2)], rows, sem).wait()

    @pl.when(nch > 0)
    def _():
        loadidx(0, sbuf0, dbuf0, semi0)
        waitidx(sbuf0, dbuf0, semi0)
        pltpu.async_copy(h1_h.at[sbuf0], rows0, sem0)

        @pl.when(nch > 1)
        def _():
            loadidx(1, sbuf1, dbuf1, semi1)

        def body(g, carry):
            c0 = 2 * g

            @pl.when(c0 + 1 < nch)
            def _():
                waitidx(sbuf1, dbuf1, semi1)
                pltpu.async_copy(h1_h.at[sbuf1], rows1, sem1)

            draingather(rows0, sem0)
            pltpu.sync_copy(rows0, acc2.at[dbuf0], add=True)

            @pl.when(c0 + 2 < nch)
            def _():
                loadidx(c0 + 2, sbuf0, dbuf0, semi0)
                waitidx(sbuf0, dbuf0, semi0)
                pltpu.async_copy(h1_h.at[sbuf0], rows0, sem0)

            @pl.when(c0 + 1 < nch)
            def _():
                draingather(rows1, sem1)
                pltpu.sync_copy(rows1, acc2.at[dbuf1], add=True)

                @pl.when(c0 + 3 < nch)
                def _():
                    loadidx(c0 + 3, sbuf1, dbuf1, semi1)
            return carry

        lax.fori_loop(0, (nch + 1) // 2, body, jnp.int32(0))

    plsc.subcore_barrier()
    pltpu.sync_copy(acc2.at[pl.ds(sid * (A2R // NS), A2R // NS)],
                    part2_h.at[cid, pl.ds(sid * (A2R // NS), A2R // NS)])


@jax.jit
def _msg2(h1, fsrc, fdst, fcnt, z2):
    return pl.kernel(
        _msg2_body,
        out_type=jax.ShapeDtypeStruct((NC, A2R, C), jnp.float32),
        mesh=_MESH,
        scratch_types=[
            pltpu.VMEM_SHARED((A2R, C), jnp.float32),
            pltpu.VMEM((KE2,), jnp.int32),
            pltpu.VMEM((KE2,), jnp.int32),
            pltpu.VMEM((KE2,), jnp.int32),
            pltpu.VMEM((KE2,), jnp.int32),
            pltpu.VMEM((KE2, C), jnp.float32),
            pltpu.VMEM((KE2, C), jnp.float32),
            pltpu.VMEM((16,), jnp.int32),
            pltpu.SemaphoreType.DMA,
            pltpu.SemaphoreType.DMA,
            pltpu.SemaphoreType.DMA,
            pltpu.SemaphoreType.DMA,
        ],
        compiler_params=_SC_PARAMS,
    )(h1, fsrc, fdst, fcnt, z2)


def _deg_body(d_ref, out_ref):
    i = pl.program_id(0)

    @pl.when(i == 0)
    def _():
        out_ref[...] = jnp.zeros_like(out_ref)

    d = d_ref[...]
    hi = d // C
    lo = d % C
    oh_hi = (hi == lax.broadcasted_iota(jnp.int32, (EB, HI), 1)
             ).astype(jnp.bfloat16)
    oh_lo = (lo == lax.broadcasted_iota(jnp.int32, (EB, C), 1)
             ).astype(jnp.bfloat16)
    out_ref[...] += lax.dot_general(
        oh_hi, oh_lo, (((0,), (0,)), ((), ())),
        preferred_element_type=jnp.float32)


@jax.jit
def _deg_histogram(dst2):
    return pl.pallas_call(
        _deg_body,
        grid=(EGRID,),
        in_specs=[pl.BlockSpec((EB, 1), lambda i: (i, 0))],
        out_specs=pl.BlockSpec((HI, C), lambda i: (0, 0)),
        out_shape=jax.ShapeDtypeStruct((HI, C), jnp.float32),
    )(dst2)


def _h0_body(x_ref, bv_ref, nt_ref, seed_ref, er_ref, wenc_ref, wts_ref,
             wtc_ref, benc_ref, out_ref):
    onehot = (bv_ref[...] == lax.broadcasted_iota(jnp.int32, (RB, B), 1)
              ).astype(jnp.float32)
    st = jnp.dot(onehot, seed_ref[...], preferred_element_type=jnp.float32)
    rel = st - nt_ref[...]
    k = lax.broadcasted_iota(jnp.int32, (1, C // 2), 1).astype(jnp.float32)
    freqs = jnp.exp(k * (-np.log(10000.0) / (C // 2)))
    ang = rel * freqs
    out_ref[...] = (
        jnp.dot(x_ref[...], wenc_ref[...], preferred_element_type=jnp.float32)
        + jnp.dot(jnp.sin(ang), wts_ref[...],
                  preferred_element_type=jnp.float32)
        + jnp.dot(jnp.cos(ang), wtc_ref[...],
                  preferred_element_type=jnp.float32)
        + benc_ref[...] + er_ref[...])


@jax.jit
def _h0(x_p, bv2, nt2, seed2, erows, W_enc, Wt_sin, Wt_cos, b_enc2):
    return pl.pallas_call(
        _h0_body,
        grid=(GRID,),
        in_specs=[
            pl.BlockSpec((RB, C), lambda i: (i, 0)),
            pl.BlockSpec((RB, 1), lambda i: (i, 0)),
            pl.BlockSpec((RB, 1), lambda i: (i, 0)),
            pl.BlockSpec((B, 1), lambda i: (0, 0)),
            pl.BlockSpec((RB, C), lambda i: (i, 0)),
            pl.BlockSpec((C, C), lambda i: (0, 0)),
            pl.BlockSpec((C // 2, C), lambda i: (0, 0)),
            pl.BlockSpec((C // 2, C), lambda i: (0, 0)),
            pl.BlockSpec((1, C), lambda i: (0, 0)),
        ],
        out_specs=pl.BlockSpec((RB, C), lambda i: (i, 0)),
        out_shape=jax.ShapeDtypeStruct((NPAD, C), jnp.float32),
    )(x_p, bv2, nt2, seed2, erows, W_enc, Wt_sin, Wt_cos, b_enc2)


def _layer_body(h_ref, p0_ref, p1_ref, deg_ref, ws_ref, wn_ref, bg_ref,
                out_ref):
    p = p0_ref[0] + p1_ref[0]
    deg = jnp.maximum(deg_ref[...], 1.0)
    mean = p / deg
    out_ref[...] = jnp.maximum(
        jnp.dot(h_ref[...], ws_ref[...], preferred_element_type=jnp.float32)
        + jnp.dot(mean, wn_ref[...], preferred_element_type=jnp.float32)
        + bg_ref[...], 0.0)


@jax.jit
def _layer(h, part, deg2, ws, wn, bg2):
    return pl.pallas_call(
        _layer_body,
        grid=(GRID,),
        in_specs=[
            pl.BlockSpec((RB, C), lambda i: (i, 0)),
            pl.BlockSpec((1, RB, C), lambda i: (0, i, 0)),
            pl.BlockSpec((1, RB, C), lambda i: (1, i, 0)),
            pl.BlockSpec((RB, 1), lambda i: (i, 0)),
            pl.BlockSpec((C, C), lambda i: (0, 0)),
            pl.BlockSpec((C, C), lambda i: (0, 0)),
            pl.BlockSpec((1, C), lambda i: (0, 0)),
        ],
        out_specs=pl.BlockSpec((RB, C), lambda i: (i, 0)),
        out_shape=jax.ShapeDtypeStruct((NPAD, C), jnp.float32),
    )(h, part, part, deg2, ws, wn, bg2)


def _head_body(h_ref, p0_ref, p1_ref, deg_ref, ws_ref, wn_ref, bg_ref, wh_ref,
               bh_ref, out_ref):
    p = p0_ref[0] + p1_ref[0]
    deg = jnp.maximum(deg_ref[...], 1.0)
    mean = p / deg
    h2 = jnp.maximum(
        jnp.dot(h_ref[...], ws_ref[...], preferred_element_type=jnp.float32)
        + jnp.dot(mean, wn_ref[...], preferred_element_type=jnp.float32)
        + bg_ref[...], 0.0)
    out_ref[...] = (jnp.dot(h2, wh_ref[...], preferred_element_type=jnp.float32)
                    + bh_ref[...])


@jax.jit
def _head(h, part2, deg2, ws, wn, bg2, W_head, b_head2):
    return pl.pallas_call(
        _head_body,
        grid=(1,),
        in_specs=[
            pl.BlockSpec((B, C), lambda i: (0, 0)),
            pl.BlockSpec((1, B, C), lambda i: (0, 0, 0)),
            pl.BlockSpec((1, B, C), lambda i: (1, 0, 0)),
            pl.BlockSpec((B, 1), lambda i: (0, 0)),
            pl.BlockSpec((C, C), lambda i: (0, 0)),
            pl.BlockSpec((C, C), lambda i: (0, 0)),
            pl.BlockSpec((1, C), lambda i: (0, 0)),
            pl.BlockSpec((C, 1), lambda i: (0, 0)),
            pl.BlockSpec((1, 1), lambda i: (0, 0)),
        ],
        out_specs=pl.BlockSpec((B, 1), lambda i: (0, 0)),
        out_shape=jax.ShapeDtypeStruct((B, 1), jnp.float32),
    )(h, part2, part2, deg2, ws, wn, bg2, W_head, b_head2)


def kernel(x, edge_index, n_id, node_time, seed_time, batch_vec,
           W_enc, b_enc, W_time, emb, W_self, W_neigh, b_gnn, W_head, b_head):
    pad = NPAD - N
    nid_p = jnp.concatenate([n_id, jnp.zeros((pad,), jnp.int32)])
    bv_p = jnp.concatenate([batch_vec, jnp.zeros((pad,), jnp.int32)])
    nt_p = jnp.concatenate([node_time, jnp.zeros((pad,), jnp.float32)])
    x_p = jnp.concatenate([x, jnp.zeros((pad, C), jnp.float32)])
    src = edge_index[0]
    dst = edge_index[1]
    sp = src
    dp = dst

    erows, fsrc, fdst, fcnt = _enc_gather(emb, nid_p, sp, dp)
    h0 = _h0(x_p, bv_p.reshape(NPAD, 1), nt_p.reshape(NPAD, 1),
             seed_time.reshape(B, 1), erows,
             W_enc, W_time[:C // 2], W_time[C // 2:], b_enc.reshape(1, C))
    part1 = _msg1(h0, sp, dp, jnp.zeros((RPT, C), jnp.float32))
    deg2 = _deg_histogram(dst.reshape(E, 1)).reshape(NPAD, 1)
    h1 = _layer(h0, part1, deg2, W_self[0], W_neigh[0], b_gnn[0].reshape(1, C))
    part2 = _msg2(h1, fsrc, fdst, fcnt,
                  jnp.zeros((A2R // NS, C), jnp.float32))
    return _head(h1, part2, deg2, W_self[1], W_neigh[1],
                 b_gnn[1].reshape(1, C), W_head, b_head.reshape(1, 1))

# --- scband reference (transcript-rebuilt; emitter-appended) ---
"""Pipeline reference for scband-model-48893907697973 (READ-ONLY COPY).

The authoritative reference and input builder live on the scoring server;
editing this copy changes nothing except your own understanding.
"""

import jax, jax.numpy as jnp
import numpy as np

N = 10000
E = 320000
D_IN = 128
CHANNELS = 128
NUM_LAYERS = 2
OUT_CHANNELS = 1
VOCAB = 100000
B = 512


def _sinusoid(t, channels):
    half = channels // 2
    freqs = jnp.exp(-jnp.arange(half, dtype=jnp.float32) * (np.log(10000.0) / half))
    ang = t[:, None] * freqs[None, :]
    return jnp.concatenate([jnp.sin(ang), jnp.cos(ang)], axis=-1)


def setup_inputs(seed: int = 0):
    key = jax.random.key(seed)
    ks = [jax.random.fold_in(key, i) for i in range(20)]
    x = jax.random.normal(ks[0], (N, D_IN), dtype=jnp.float32)
    edge_index = jax.random.randint(ks[1], (2, E), 0, N, dtype=jnp.int32)
    n_id = jax.random.randint(ks[2], (N,), 0, VOCAB, dtype=jnp.int32)
    node_time = jax.random.uniform(ks[3], (N,), dtype=jnp.float32)
    seed_time = jax.random.uniform(ks[4], (B,), dtype=jnp.float32)
    batch_vec = jax.random.randint(ks[5], (N,), 0, B, dtype=jnp.int32)
    W_enc = jax.random.normal(ks[6], (D_IN, CHANNELS), dtype=jnp.float32) * 0.05
    b_enc = jnp.zeros((CHANNELS,), dtype=jnp.float32)
    W_time = jax.random.normal(ks[7], (CHANNELS, CHANNELS), dtype=jnp.float32) * 0.05
    emb = jax.random.normal(ks[8], (VOCAB, CHANNELS), dtype=jnp.float32) * 0.1
    W_self = jax.random.normal(ks[9], (NUM_LAYERS, CHANNELS, CHANNELS), dtype=jnp.float32) * 0.05
    W_neigh = jax.random.normal(ks[10], (NUM_LAYERS, CHANNELS, CHANNELS), dtype=jnp.float32) * 0.05
    b_gnn = jnp.zeros((NUM_LAYERS, CHANNELS), dtype=jnp.float32)
    W_head = jax.random.normal(ks[11], (CHANNELS, OUT_CHANNELS), dtype=jnp.float32) * 0.05
    b_head = jnp.zeros((OUT_CHANNELS,), dtype=jnp.float32)
    return {"x": x, "edge_index": edge_index, "n_id": n_id, "node_time": node_time,
            "seed_time": seed_time, "batch_vec": batch_vec, "W_enc": W_enc, "b_enc": b_enc,
            "W_time": W_time, "emb": emb, "W_self": W_self, "W_neigh": W_neigh,
            "b_gnn": b_gnn, "W_head": W_head, "b_head": b_head}


def reference(x, edge_index, n_id, node_time, seed_time, batch_vec,
              W_enc, b_enc, W_time, emb, W_self, W_neigh, b_gnn, W_head, b_head):
    # HeteroEncoder (tabular encoder -> channels)
    h = x @ W_enc + b_enc
    # HeteroTemporalEncoder: rel_time = seed_time[batch] - node_time, sinusoidal + linear
    rel_time = seed_time[batch_vec] - node_time
    pe = _sinusoid(rel_time, CHANNELS)
    h = h + pe @ W_time
    # Shallow embedding lookup (memory-bound gather from large table)
    h = h + jnp.take(emb, n_id, axis=0)
    # HeteroGraphSAGE layers with mean aggregation
    src = edge_index[0]
    dst = edge_index[1]
    deg = jax.ops.segment_sum(jnp.ones((E,), dtype=jnp.float32), dst, num_segments=N)
    deg = jnp.maximum(deg, 1.0)
    for i in range(NUM_LAYERS):
        msg = jax.ops.segment_sum(jnp.take(h, src, axis=0), dst, num_segments=N)
        mean = msg / deg[:, None]
        h = jax.nn.relu(h @ W_self[i] + mean @ W_neigh[i] + b_gnn[i])
    # MLP head on seed nodes (first B rows)
    out = h[:B] @ W_head + b_head
    return out

if __name__ == "__main__":
    import jax
    _d = setup_inputs()
    print(jax.jit(kernel)(*tuple(_d.values())))

</pallas_src>

<mosaic_0001>
#map = affine_map<(d0, d1) -> (0, 0)>
#map1 = affine_map<(d0, d1) -> (0)>
module attributes {stable_mosaic.version = 14 : i64} {
  func.func @_enc_gather_body(%arg0: i32, %arg1: i32, %arg2: memref<100000x128xf32, #tpu.memory_space<hbm>>, %arg3: memref<10240xi32, #tpu.memory_space<hbm>>, %arg4: memref<320000xi32, #tpu.memory_space<hbm>>, %arg5: memref<320000xi32, #tpu.memory_space<hbm>>, %arg6: memref<10240x128xf32, #tpu.memory_space<hbm>>, %arg7: memref<320512xi32, #tpu.memory_space<hbm>>, %arg8: memref<320512xi32, #tpu.memory_space<hbm>>, %arg9: memref<32x16xi32, #tpu.memory_space<hbm>>, %arg10: memref<320xi32, #tpu.memory_space<vmem>>, %arg11: memref<320x128xf32, #tpu.memory_space<vmem>>, %arg12: memref<10000xi32, #tpu.memory_space<vmem>>, %arg13: memref<10000xi32, #tpu.memory_space<vmem>>, %arg14: memref<10016xi32, #tpu.memory_space<vmem>>, %arg15: memref<10016xi32, #tpu.memory_space<vmem>>, %arg16: memref<16xi32, #tpu.memory_space<vmem>>, %arg17: memref<!tpu.dma_semaphore, #tpu.memory_space<semaphore_mem>>, %arg18: memref<!tpu.dma_semaphore, #tpu.memory_space<semaphore_mem>>) attributes {dimension_semantics = [#tpu.dimension_semantics<core_parallel>, #tpu.dimension_semantics<subcore_parallel>], iteration_bounds = array<i64: 2, 16>, scalar_prefetch = 0 : i64, scratch_operands = 9 : i64, tpu.core_type = #tpu.core_type<sc_vector_subcore>, window_params = [{transform_indices = #map}, {transform_indices = #map1}, {transform_indices = #map1}, {transform_indices = #map1}, {transform_indices = #map}, {transform_indices = #map1}, {transform_indices = #map1}, {transform_indices = #map}]} {
    %mul3A = arith.constant 2 : i32
    %mul3A_0 = arith.muli %arg1, %mul3A : i32
    %add3A = arith.addi %mul3A_0, %arg0 : i32
    %mul3A_1 = arith.constant 320 : i32
    %mul3A_2 = arith.muli %add3A, %mul3A_1 : i32
    "tpu.region"() ({
      %run_scoped3A = tpu.sem_alloc : memref<!tpu.dma_semaphore, #tpu.memory_space<semaphore_mem>>
      %dma_start3A_110 = tpu.memref_slice %arg3[%mul3A_2] : memref<10240xi32, #tpu.memory_space<hbm>> -> memref<320xi32, #tpu.memory_space<hbm>>
      %dma_start3A_111 = tpu.memref_slice %arg3[%mul3A_2] : memref<10240xi32, #tpu.memory_space<hbm>> -> memref<320xi32, #tpu.memory_space<hbm>>
      tpu.enqueue_dma source(%dma_start3A_111 : memref<320xi32, #tpu.memory_space<hbm>>) target(%arg10 : memref<320xi32, #tpu.memory_space<vmem>>) target_semaphore(%run_scoped3A : memref<!tpu.dma_semaphore, #tpu.memory_space<semaphore_mem>>)
      %dma_wait3A_112 = tpu.memref_slice %arg3[%mul3A_2] : memref<10240xi32, #tpu.memory_space<hbm>> -> memref<320xi32, #tpu.memory_space<hbm>>
      %dma_wait3A_113 = tpu.memref_slice %arg3[%mul3A_2] : memref<10240xi32, #tpu.memory_space<hbm>> -> memref<320xi32, #tpu.memory_space<hbm>>
      tpu.wait_dma2 semaphore(%run_scoped3A : memref<!tpu.dma_semaphore, #tpu.memory_space<semaphore_mem>>) src(%dma_wait3A_113 : memref<320xi32, #tpu.memory_space<hbm>>) dst(%arg10 : memref<320xi32, #tpu.memory_space<vmem>>)
      tpu.yield
    }) : () -> ()
    %dma_start3A = arith.constant 0 : i32
    %dma_start3A_3 = arith.constant 0 : i32
    %dma_start3A_4 = tpu.memref_slice %arg11[%dma_start3A, %dma_start3A_3] : memref<320x128xf32, #tpu.memory_space<vmem>> -> memref<80x128xf32, #tpu.memory_space<vmem>>
    %dma_start3A_5 = arith.constant 0 : i32
    %dma_start3A_6 = tpu.memref_slice %arg10[%dma_start3A_5] : memref<320xi32, #tpu.memory_space<vmem>> -> memref<80xi32, #tpu.memory_space<vmem>>
    %dma_start3A_7 = arith.constant 0 : i32
    %dma_start3A_8 = arith.constant 0 : i32
    %dma_start3A_9 = tpu.memref_slice %arg2[%dma_start3A_7, %dma_start3A_8] : memref<100000x128xf32, #tpu.memory_space<hbm>> -> memref<100000x128xf32, #tpu.memory_space<hbm>>
    tpu.enqueue_indirect_dma source(%dma_start3A_9 : memref<100000x128xf32, #tpu.memory_space<hbm>>) target(%dma_start3A_4 : memref<80x128xf32, #tpu.memory_space<vmem>>) offsets(%dma_start3A_6 : memref<80xi32, #tpu.memory_space<vmem>>) semaphore(%arg17 : memref<!tpu.dma_semaphore, #tpu.memory_space<semaphore_mem>>)
    %dma_start3A_10 = arith.constant 80 : i32
    %dma_start3A_11 = arith.constant 0 : i32
    %dma_start3A_12 = tpu.memref_slice %arg11[%dma_start3A_10, %dma_start3A_11] : memref<320x128xf32, #tpu.memory_space<vmem>> -> memref<80x128xf32, #tpu.memory_space<vmem>>
    %dma_start3A_13 = arith.constant 80 : i32
    %dma_start3A_14 = tpu.memref_slice %arg10[%dma_start3A_13] : memref<320xi32, #tpu.memory_space<vmem>> -> memref<80xi32, #tpu.memory_space<vmem>>
    %dma_start3A_15 = arith.constant 0 : i32
    %dma_start3A_16 = arith.constant 0 : i32
    %dma_start3A_17 = tpu.memref_slice %arg2[%dma_start3A_15, %dma_start3A_16] : memref<100000x128xf32, #tpu.memory_space<hbm>> -> memref<100000x128xf32, #tpu.memory_space<hbm>>
    tpu.enqueue_indirect_dma source(%dma_start3A_17 : memref<100000x128xf32, #tpu.memory_space<hbm>>) target(%dma_start3A_12 : memref<80x128xf32, #tpu.memory_space<vmem>>) offsets(%dma_start3A_14 : memref<80xi32, #tpu.memory_space<vmem>>) semaphore(%arg17 : memref<!tpu.dma_semaphore, #tpu.memory_space<semaphore_mem>>)
    %dma_start3A_18 = arith.constant 160 : i32
    %dma_start3A_19 = arith.constant 0 : i32
    %dma_start3A_20 = tpu.memref_slice %arg11[%dma_start3A_18, %dma_start3A_19] : memref<320x128xf32, #tpu.memory_space<vmem>> -> memref<80x128xf32, #tpu.memory_space<vmem>>
    %dma_start3A_21 = arith.constant 160 : i32
    %dma_start3A_22 = tpu.memref_slice %arg10[%dma_start3A_21] : memref<320xi32, #tpu.memory_space<vmem>> -> memref<80xi32, #tpu.memory_space<vmem>>
    %dma_start3A_23 = arith.constant 0 : i32
    %dma_start3A_24 = arith.constant 0 : i32
    %dma_start3A_25 = tpu.memref_slice %arg2[%dma_start3A_23, %dma_start3A_24] : memref<100000x128xf32, #tpu.memory_space<hbm>> -> memref<100000x128xf32, #tpu.memory_space<hbm>>
    tpu.enqueue_indirect_dma source(%dma_start3A_25 : memref<100000x128xf32, #tpu.memory_space<hbm>>) target(%dma_start3A_20 : memref<80x128xf32, #tpu.memory_space<vmem>>) offsets(%dma_start3A_22 : memref<80xi32, #tpu.memory_space<vmem>>) semaphore(%arg17 : memref<!tpu.dma_semaphore, #tpu.memory_space<semaphore_mem>>)
    %dma_start3A_26 = arith.constant 240 : i32
    %dma_start3A_27 = arith.constant 0 : i32
    %dma_start3A_28 = tpu.memref_slice %arg11[%dma_start3A_26, %dma_start3A_27] : memref<320x128xf32, #tpu.memory_space<vmem>> -> memref<80x128xf32, #tpu.memory_space<vmem>>
    %dma_start3A_29 = arith.constant 240 : i32
    %dma_start3A_30 = tpu.memref_slice %arg10[%dma_start3A_29] : memref<320xi32, #tpu.memory_space<vmem>> -> memref<80xi32, #tpu.memory_space<vmem>>
    %dma_start3A_31 = arith.constant 0 : i32
    %dma_start3A_32 = arith.constant 0 : i32
    %dma_start3A_33 = tpu.memref_slice %arg2[%dma_start3A_31, %dma_start3A_32] : memref<100000x128xf32, #tpu.memory_space<hbm>> -> memref<100000x128xf32, #tpu.memory_space<hbm>>
    tpu.enqueue_indirect_dma source(%dma_start3A_33 : memref<100000x128xf32, #tpu.memory_space<hbm>>) target(%dma_start3A_28 : memref<80x128xf32, #tpu.memory_space<vmem>>) offsets(%dma_start3A_30 : memref<80xi32, #tpu.memory_space<vmem>>) semaphore(%arg17 : memref<!tpu.dma_semaphore, #tpu.memory_space<semaphore_mem>>)
    %mul3A_34 = arith.constant 10000 : i32
    %mul3A_35 = arith.muli %add3A, %mul3A_34 : i32
    %dma_start3A_36 = tpu.memref_slice %arg4[%mul3A_35] : memref<320000xi32, #tpu.memory_space<hbm>> -> memref<10000xi32, #tpu.memory_space<hbm>>
    %dma_start3A_37 = tpu.memref_slice %arg4[%mul3A_35] : memref<320000xi32, #tpu.memory_space<hbm>> -> memref<10000xi32, #tpu.memory_space<hbm>>
    tpu.enqueue_dma source(%dma_start3A_37 : memref<10000xi32, #tpu.memory_space<hbm>>) target(%arg12 : memref<10000xi32, #tpu.memory_space<vmem>>) target_semaphore(%arg18 : memref<!tpu.dma_semaphore, #tpu.memory_space<semaphore_mem>>)
    %mul3A_38 = arith.constant 10000 : i32
    %mul3A_39 = arith.muli %add3A, %mul3A_38 : i32
    %dma_start3A_40 = tpu.memref_slice %arg5[%mul3A_39] : memref<320000xi32, #tpu.memory_space<hbm>> -> memref<10000xi32, #tpu.memory_space<hbm>>
    %dma_start3A_41 = tpu.memref_slice %arg5[%mul3A_39] : memref<320000xi32, #tpu.memory_space<hbm>> -> memref<10000xi32, #tpu.memory_space<hbm>>
    tpu.enqueue_dma source(%dma_start3A_41 : memref<10000xi32, #tpu.memory_space<hbm>>) target(%arg13 : memref<10000xi32, #tpu.memory_space<vmem>>) target_semaphore(%arg18 : memref<!tpu.dma_semaphore, #tpu.memory_space<semaphore_mem>>)
    %dma_wait3A = arith.constant 0 : i32
    %dma_wait3A_42 = arith.constant 0 : i32
    %dma_wait3A_43 = tpu.memref_slice %arg11[%dma_wait3A, %dma_wait3A_42] : memref<320x128xf32, #tpu.memory_space<vmem>> -> memref<80x128xf32, #tpu.memory_space<vmem>>
    %dma_wait3A_44 = arith.constant 0 : i32
    %dma_wait3A_45 = arith.constant 0 : i32
    %dma_wait3A_46 = tpu.memref_slice %arg2[%dma_wait3A_44, %dma_wait3A_45] : memref<100000x128xf32, #tpu.memory_space<hbm>> -> memref<80x128xf32, #tpu.memory_space<hbm>>
    %dma_wait3A_47 = arith.constant 0 : i32
    %dma_wait3A_48 = arith.constant 0 : i32
    %dma_wait3A_49 = tpu.memref_slice %arg11[%dma_wait3A_47, %dma_wait3A_48] : memref<320x128xf32, #tpu.memory_space<vmem>> -> memref<80x128xf32, #tpu.memory_space<vmem>>
    %dma_wait3A_50 = arith.constant 0 : i32
    %dma_wait3A_51 = arith.constant 0 : i32
    %dma_wait3A_52 = tpu.memref_slice %arg2[%dma_wait3A_50, %dma_wait3A_51] : memref<100000x128xf32, #tpu.memory_space<hbm>> -> memref<80x128xf32, #tpu.memory_space<hbm>>
    tpu.wait_dma2 semaphore(%arg17 : memref<!tpu.dma_semaphore, #tpu.memory_space<semaphore_mem>>) src(%dma_wait3A_52 : memref<80x128xf32, #tpu.memory_space<hbm>>) dst(%dma_wait3A_49 : memref<80x128xf32, #tpu.memory_space<vmem>>)
    %dma_wait3A_53 = arith.constant 80 : i32
    %dma_wait3A_54 = arith.constant 0 : i32
    %dma_wait3A_55 = tpu.memref_slice %arg11[%dma_wait3A_53, %dma_wait3A_54] : memref<320x128xf32, #tpu.memory_space<vmem>> -> memref<80x128xf32, #tpu.memory_space<vmem>>
    %dma_wait3A_56 = arith.constant 0 : i32
    %dma_wait3A_57 = arith.constant 0 : i32
    %dma_wait3A_58 = tpu.memref_slice %arg2[%dma_wait3A_56, %dma_wait3A_57] : memref<100000x128xf32, #tpu.memory_space<hbm>> -> memref<80x128xf32, #tpu.memory_space<hbm>>
    %dma_wait3A_59 = arith.constant 80 : i32
    %dma_wait3A_60 = arith.constant 0 : i32
    %dma_wait3A_61 = tpu.memref_slice %arg11[%dma_wait3A_59, %dma_wait3A_60] : memref<320x128xf32, #tpu.memory_space<vmem>> -> memref<80x128xf32, #tpu.memory_space<vmem>>
    %dma_wait3A_62 = arith.constant 0 : i32
    %dma_wait3A_63 = arith.constant 0 : i32
    %dma_wait3A_64 = tpu.memref_slice %arg2[%dma_wait3A_62, %dma_wait3A_63] : memref<100000x128xf32, #tpu.memory_space<hbm>> -> memref<80x128xf32, #tpu.memory_space<hbm>>
    tpu.wait_dma2 semaphore(%arg17 : memref<!tpu.dma_semaphore, #tpu.memory_space<semaphore_mem>>) src(%dma_wait3A_64 : memref<80x128xf32, #tpu.memory_space<hbm>>) dst(%dma_wait3A_61 : memref<80x128xf32, #tpu.memory_space<vmem>>)
    %dma_wait3A_65 = arith.constant 160 : i32
    %dma_wait3A_66 = arith.constant 0 : i32
    %dma_wait3A_67 = tpu.memref_slice %arg11[%dma_wait3A_65, %dma_wait3A_66] : memref<320x128xf32, #tpu.memory_space<vmem>> -> memref<80x128xf32, #tpu.memory_space<vmem>>
    %dma_wait3A_68 = arith.constant 0 : i32
    %dma_wait3A_69 = arith.constant 0 : i32
    %dma_wait3A_70 = tpu.memref_slice %arg2[%dma_wait3A_68, %dma_wait3A_69] : memref<100000x128xf32, #tpu.memory_space<hbm>> -> memref<80x128xf32, #tpu.memory_space<hbm>>
    %dma_wait3A_71 = arith.constant 160 : i32
    %dma_wait3A_72 = arith.constant 0 : i32
    %dma_wait3A_73 = tpu.memref_slice %arg11[%dma_wait3A_71, %dma_wait3A_72] : memref<320x128xf32, #tpu.memory_space<vmem>> -> memref<80x128xf32, #tpu.memory_space<vmem>>
    %dma_wait3A_74 = arith.constant 0 : i32
    %dma_wait3A_75 = arith.constant 0 : i32
    %dma_wait3A_76 = tpu.memref_slice %arg2[%dma_wait3A_74, %dma_wait3A_75] : memref<100000x128xf32, #tpu.memory_space<hbm>> -> memref<80x128xf32, #tpu.memory_space<hbm>>
    tpu.wait_dma2 semaphore(%arg17 : memref<!tpu.dma_semaphore, #tpu.memory_space<semaphore_mem>>) src(%dma_wait3A_76 : memref<80x128xf32, #tpu.memory_space<hbm>>) dst(%dma_wait3A_73 : memref<80x128xf32, #tpu.memory_space<vmem>>)
    %dma_wait3A_77 = arith.constant 240 : i32
    %dma_wait3A_78 = arith.constant 0 : i32
    %dma_wait3A_79 = tpu.memref_slice %arg11[%dma_wait3A_77, %dma_wait3A_78] : memref<320x128xf32, #tpu.memory_space<vmem>> -> memref<80x128xf32, #tpu.memory_space<vmem>>
    %dma_wait3A_80 = arith.constant 0 : i32
    %dma_wait3A_81 = arith.constant 0 : i32
    %dma_wait3A_82 = tpu.memref_slice %arg2[%dma_wait3A_80, %dma_wait3A_81] : memref<100000x128xf32, #tpu.memory_space<hbm>> -> memref<80x128xf32, #tpu.memory_space<hbm>>
    %dma_wait3A_83 = arith.constant 240 : i32
    %dma_wait3A_84 = arith.constant 0 : i32
    %dma_wait3A_85 = tpu.memref_slice %arg11[%dma_wait3A_83, %dma_wait3A_84] : memref<320x128xf32, #tpu.memory_space<vmem>> -> memref<80x128xf32, #tpu.memory_space<vmem>>
    %dma_wait3A_86 = arith.constant 0 : i32
    %dma_wait3A_87 = arith.constant 0 : i32
    %dma_wait3A_88 = tpu.memref_slice %arg2[%dma_wait3A_86, %dma_wait3A_87] : memref<100000x128xf32, #tpu.memory_space<hbm>> -> memref<80x128xf32, #tpu.memory_space<hbm>>
    tpu.wait_dma2 semaphore(%arg17 : memref<!tpu.dma_semaphore, #tpu.memory_space<semaphore_mem>>) src(%dma_wait3A_88 : memref<80x128xf32, #tpu.memory_space<hbm>>) dst(%dma_wait3A_85 : memref<80x128xf32, #tpu.memory_space<vmem>>)
    "tpu.region"() ({
      %run_scoped3A = tpu.sem_alloc : memref<!tpu.dma_semaphore, #tpu.memory_space<semaphore_mem>>
      %dma_start3A_110 = arith.constant 0 : i32
      %dma_start3A_111 = tpu.memref_slice %arg6[%mul3A_2, %dma_start3A_110] : memref<10240x128xf32, #tpu.memory_space<hbm>> -> memref<320x128xf32, #tpu.memory_space<hbm>>
      %dma_start3A_112 = arith.constant 0 : i32
      %dma_start3A_113 = tpu.memref_slice %arg6[%mul3A_2, %dma_start3A_112] : memref<10240x128xf32, #tpu.memory_space<hbm>> -> memref<320x128xf32, #tpu.memory_space<hbm>>
      tpu.enqueue_dma source(%arg11 : memref<320x128xf32, #tpu.memory_space<vmem>>) target(%dma_start3A_113 : memref<320x128xf32, #tpu.memory_space<hbm>>) target_semaphore(%run_scoped3A : memref<!tpu.dma_semaphore, #tpu.memory_space<semaphore_mem>>)
      %dma_wait3A_114 = arith.constant 0 : i32
      %dma_wait3A_115 = tpu.memref_slice %arg6[%mul3A_2, %dma_wait3A_114] : memref<10240x128xf32, #tpu.memory_space<hbm>> -> memref<320x128xf32, #tpu.memory_space<hbm>>
      %dma_wait3A_116 = arith.constant 0 : i32
      %dma_wait3A_117 = tpu.memref_slice %arg6[%mul3A_2, %dma_wait3A_116] : memref<10240x128xf32, #tpu.memory_space<hbm>> -> memref<320x128xf32, #tpu.memory_space<hbm>>
      tpu.wait_dma2 semaphore(%run_scoped3A : memref<!tpu.dma_semaphore, #tpu.memory_space<semaphore_mem>>) src(%arg11 : memref<320x128xf32, #tpu.memory_space<vmem>>) dst(%dma_wait3A_117 : memref<320x128xf32, #tpu.memory_space<hbm>>)
      tpu.yield
    }) : () -> ()
    %dma_wait3A_89 = tpu.memref_slice %arg4[%mul3A_35] : memref<320000xi32, #tpu.memory_space<hbm>> -> memref<10000xi32, #tpu.memory_space<hbm>>
    %dma_wait3A_90 = tpu.memref_slice %arg4[%mul3A_35] : memref<320000xi32, #tpu.memory_space<hbm>> -> memref<10000xi32, #tpu.memory_space<hbm>>
    tpu.wait_dma2 semaphore(%arg18 : memref<!tpu.dma_semaphore, #tpu.memory_space<semaphore_mem>>) src(%dma_wait3A_90 : memref<10000xi32, #tpu.memory_space<hbm>>) dst(%arg12 : memref<10000xi32, #tpu.memory_space<vmem>>)
    %dma_wait3A_91 = tpu.memref_slice %arg5[%mul3A_39] : memref<320000xi32, #tpu.memory_space<hbm>> -> memref<10000xi32, #tpu.memory_space<hbm>>
    %dma_wait3A_92 = tpu.memref_slice %arg5[%mul3A_39] : memref<320000xi32, #tpu.memory_space<hbm>> -> memref<10000xi32, #tpu.memory_space<hbm>>
    tpu.wait_dma2 semaphore(%arg18 : memref<!tpu.dma_semaphore, #tpu.memory_space<semaphore_mem>>) src(%dma_wait3A_92 : memref<10000xi32, #tpu.memory_space<hbm>>) dst(%arg13 : memref<10000xi32, #tpu.memory_space<vmem>>)
    %scan3A = arith.constant 0 : i32
    %scan3A_93 = arith.constant 0 : i32
    %scan3A_94 = arith.constant 626 : i32
    %scan3A_95 = arith.addi %scan3A_93, %scan3A_94 : i32
    %scan3A_96 = arith.constant 1 : i32
    scf.for %scan3A_110 = %scan3A_93 to %scan3A_95 step %scan3A_96  : i32 {
      %broadcast_in_dim3A_111 = arith.constant 0 : i32
      %broadcast_in_dim3A_112 = vector.broadcast %broadcast_in_dim3A_111 : i32 to vector<16xi32>
      %mul3A_113 = arith.constant 16 : i32
      %mul3A_114 = arith.muli %scan3A_110, %mul3A_113 : i32
      %swap3A_115 = arith.index_cast %mul3A_114 : i32 to index
      %swap3A_116 = tpu.vector_load %arg14[%swap3A_115] {strides = array<i32>} : memref<10016xi32, #tpu.memory_space<vmem>>, vector<16xi32>,
      tpu.vector_store %arg14[%swap3A_115], %broadcast_in_dim3A_112 {strides = array<i32>} : memref<10016xi32, #tpu.memory_space<vmem>>, vector<16xi32>,
      %add3A_117 = arith.constant 512 : i32
      %add3A_118 = arith.addi %add3A_117, %add3A : i32
      %broadcast_in_dim3A_119 = vector.broadcast %add3A_118 : i32 to vector<16xi32>
      %mul3A_120 = arith.constant 16 : i32
      %mul3A_121 = arith.muli %scan3A_110, %mul3A_120 : i32
      %swap3A_122 = arith.index_cast %mul3A_121 : i32 to index
      %swap3A_123 = tpu.vector_load %arg15[%swap3A_122] {strides = array<i32>} : memref<10016xi32, #tpu.memory_space<vmem>>, vector<16xi32>,
      tpu.vector_store %arg15[%swap3A_122], %broadcast_in_dim3A_119 {strides = array<i32>} : memref<10016xi32, #tpu.memory_space<vmem>>, vector<16xi32>,
    }
    %scan3A_97 = arith.constant 626 : i32
    %scan3A_98 = arith.constant 0 : i32
    %scan3A_99 = arith.constant 0 : i32
    %scan3A_100 = arith.constant 625 : i32
    %scan3A_101 = arith.addi %scan3A_99, %scan3A_100 : i32
    %scan3A_102 = arith.constant 1 : i32
    %scan3A_103 = scf.for %scan3A_110 = %scan3A_99 to %scan3A_101 step %scan3A_102 iter_args(%scan3A_111 = %scan3A_98) -> (i32)  : i32 {
      %mul3A_112 = arith.constant 16 : i32
      %mul3A_113 = arith.muli %scan3A_110, %mul3A_112 : i32
      %get3A = arith.index_cast %mul3A_113 : i32 to index
      %get3A_114 = tpu.vector_load %arg12[%get3A] {strides = array<i32>} : memref<10000xi32, #tpu.memory_space<vmem>>, vector<16xi32>,
      %mul3A_115 = arith.constant 16 : i32
      %mul3A_116 = arith.muli %scan3A_110, %mul3A_115 : i32
      %get3A_117 = arith.index_cast %mul3A_116 : i32 to index
      %get3A_118 = tpu.vector_load %arg13[%get3A_117] {strides = array<i32>} : memref<10000xi32, #tpu.memory_space<vmem>>, vector<16xi32>,
      %lt3A = arith.constant 512 : i32
      %lt3A_119 = vector.broadcast %lt3A : i32 to vector<16xi32>
      %lt3A_120 = arith.cmpi slt, %get3A_118, %lt3A_119 : vector<16xi32>
      %swap3A_121 = arith.index_cast %scan3A_111 : i32 to index
      %swap3A_122 = tpu.vector_load %arg14[%swap3A_121] masked %lt3A_120 {strides = array<i32>} : memref<10016xi32, #tpu.memory_space<vmem>>, vector<16xi32>, vector<16xi1>
      tpu.vector_store %arg14[%swap3A_121], %get3A_114 masked %lt3A_120 {strides = array<i32>} : memref<10016xi32, #tpu.memory_space<vmem>>, vector<16xi32>, vector<16xi1>
      %swap3A_123 = arith.index_cast %scan3A_111 : i32 to index
      %swap3A_124 = tpu.vector_load %arg15[%swap3A_123] masked %lt3A_120 {strides = array<i32>} : memref<10016xi32, #tpu.memory_space<vmem>>, vector<16xi32>, vector<16xi1>
      tpu.vector_store %arg15[%swap3A_123], %get3A_118 masked %lt3A_120 {strides = array<i32>} : memref<10016xi32, #tpu.memory_space<vmem>>, vector<16xi32>, vector<16xi1>
      %all_reduce_population_count3A = tpu.all_reduce %lt3A_120 {dim = 0 : i64, kind = #tpu.reduction_kind<sum>} : vector<16xi1> -> vector<16xi32>
      %slice3A = vector.extract_strided_slice %all_reduce_population_count3A {offsets = [0], sizes = [1], strides = [1]} : vector<16xi32> to vector<1xi32>
      %squeeze3A = vector.extract %slice3A[0] : i32 from vector<1xi32>
      %add3A_125 = arith.addi %scan3A_111, %squeeze3A : i32
      scf.yield %add3A_125 : i32
    }
    %scan3A_104 = arith.constant 625 : i32
    %broadcast_in_dim3A = vector.broadcast %scan3A_103 : i32 to vector<16xi32>
    %swap3A = arith.constant 0 : index
    %swap3A_105 = tpu.vector_load %arg16[%swap3A] {strides = array<i32>} : memref<16xi32, #tpu.memory_space<vmem>>, vector<16xi32>,
    tpu.vector_store %arg16[%swap3A], %broadcast_in_dim3A {strides = array<i32>} : memref<16xi32, #tpu.memory_space<vmem>>, vector<16xi32>,
    "tpu.region"() ({
      %run_scoped3A = tpu.sem_alloc : memref<!tpu.dma_semaphore, #tpu.memory_space<semaphore_mem>>
      %dma_start3A_110 = arith.constant 0 : i32
      %dma_start3A_111 = tpu.memref_slice %arg9[%add3A, %dma_start3A_110] : memref<32x16xi32, #tpu.memory_space<hbm>> -> memref<1x16xi32, #tpu.memory_space<hbm>>
      %dma_start3A_112 = tpu.memref_squeeze %dma_start3A_111 : memref<1x16xi32, #tpu.memory_space<hbm>> -> memref<16xi32, #tpu.memory_space<hbm>>
      %dma_start3A_113 = arith.constant 0 : i32
      %dma_start3A_114 = tpu.memref_slice %arg9[%add3A, %dma_start3A_113] : memref<32x16xi32, #tpu.memory_space<hbm>> -> memref<1x16xi32, #tpu.memory_space<hbm>>
      %dma_start3A_115 = tpu.memref_squeeze %dma_start3A_114 : memref<1x16xi32, #tpu.memory_space<hbm>> -> memref<16xi32, #tpu.memory_space<hbm>>
      tpu.enqueue_dma source(%arg16 : memref<16xi32, #tpu.memory_space<vmem>>) target(%dma_start3A_115 : memref<16xi32, #tpu.memory_space<hbm>>) target_semaphore(%run_scoped3A : memref<!tpu.dma_semaphore, #tpu.memory_space<semaphore_mem>>)
      %dma_wait3A_116 = arith.constant 0 : i32
      %dma_wait3A_117 = tpu.memref_slice %arg9[%add3A, %dma_wait3A_116] : memref<32x16xi32, #tpu.memory_space<hbm>> -> memref<1x16xi32, #tpu.memory_space<hbm>>
      %dma_wait3A_118 = tpu.memref_squeeze %dma_wait3A_117 : memref<1x16xi32, #tpu.memory_space<hbm>> -> memref<16xi32, #tpu.memory_space<hbm>>
      %dma_wait3A_119 = arith.constant 0 : i32
      %dma_wait3A_120 = tpu.memref_slice %arg9[%add3A, %dma_wait3A_119] : memref<32x16xi32, #tpu.memory_space<hbm>> -> memref<1x16xi32, #tpu.memory_space<hbm>>
      %dma_wait3A_121 = tpu.memref_squeeze %dma_wait3A_120 : memref<1x16xi32, #tpu.memory_space<hbm>> -> memref<16xi32, #tpu.memory_space<hbm>>
      tpu.wait_dma2 semaphore(%run_scoped3A : memref<!tpu.dma_semaphore, #tpu.memory_space<semaphore_mem>>) src(%arg16 : memref<16xi32, #tpu.memory_space<vmem>>) dst(%dma_wait3A_121 : memref<16xi32, #tpu.memory_space<hbm>>)
      tpu.yield
    }) : () -> ()
    %mul3A_106 = arith.constant 10016 : i32
    %mul3A_107 = arith.muli %add3A, %mul3A_106 : i32
    "tpu.region"() ({
      %run_scoped3A = tpu.sem_alloc : memref<!tpu.dma_semaphore, #tpu.memory_space<semaphore_mem>>
      %dma_start3A_110 = tpu.memref_slice %arg7[%mul3A_107] : memref<320512xi32, #tpu.memory_space<hbm>> -> memref<10016xi32, #tpu.memory_space<hbm>>
      %dma_start3A_111 = tpu.memref_slice %arg7[%mul3A_107] : memref<320512xi32, #tpu.memory_space<hbm>> -> memref<10016xi32, #tpu.memory_space<hbm>>
      tpu.enqueue_dma source(%arg14 : memref<10016xi32, #tpu.memory_space<vmem>>) target(%dma_start3A_111 : memref<10016xi32, #tpu.memory_space<hbm>>) target_semaphore(%run_scoped3A : memref<!tpu.dma_semaphore, #tpu.memory_space<semaphore_mem>>)
      %dma_wait3A_112 = tpu.memref_slice %arg7[%mul3A_107] : memref<320512xi32, #tpu.memory_space<hbm>> -> memref<10016xi32, #tpu.memory_space<hbm>>
      %dma_wait3A_113 = tpu.memref_slice %arg7[%mul3A_107] : memref<320512xi32, #tpu.memory_space<hbm>> -> memref<10016xi32, #tpu.memory_space<hbm>>
      tpu.wait_dma2 semaphore(%run_scoped3A : memref<!tpu.dma_semaphore, #tpu.memory_space<semaphore_mem>>) src(%arg14 : memref<10016xi32, #tpu.memory_space<vmem>>) dst(%dma_wait3A_113 : memref<10016xi32, #tpu.memory_space<hbm>>)
      tpu.yield
    }) : () -> ()
    %mul3A_108 = arith.constant 10016 : i32
    %mul3A_109 = arith.muli %add3A, %mul3A_108 : i32
    "tpu.region"() ({
      %run_scoped3A = tpu.sem_alloc : memref<!tpu.dma_semaphore, #tpu.memory_space<semaphore_mem>>
      %dma_start3A_110 = tpu.memref_slice %arg8[%mul3A_109] : memref<320512xi32, #tpu.memory_space<hbm>> -> memref<10016xi32, #tpu.memory_space<hbm>>
      %dma_start3A_111 = tpu.memref_slice %arg8[%mul3A_109] : memref<320512xi32, #tpu.memory_space<hbm>> -> memref<10016xi32, #tpu.memory_space<hbm>>
      tpu.enqueue_dma source(%arg15 : memref<10016xi32, #tpu.memory_space<vmem>>) target(%dma_start3A_111 : memref<10016xi32, #tpu.memory_space<hbm>>) target_semaphore(%run_scoped3A : memref<!tpu.dma_semaphore, #tpu.memory_space<semaphore_mem>>)
      %dma_wait3A_112 = tpu.memref_slice %arg8[%mul3A_109] : memref<320512xi32, #tpu.memory_space<hbm>> -> memref<10016xi32, #tpu.memory_space<hbm>>
      %dma_wait3A_113 = tpu.memref_slice %arg8[%mul3A_109] : memref<320512xi32, #tpu.memory_space<hbm>> -> memref<10016xi32, #tpu.memory_space<hbm>>
      tpu.wait_dma2 semaphore(%run_scoped3A : memref<!tpu.dma_semaphore, #tpu.memory_space<semaphore_mem>>) src(%arg15 : memref<10016xi32, #tpu.memory_space<vmem>>) dst(%dma_wait3A_113 : memref<10016xi32, #tpu.memory_space<hbm>>)
      tpu.yield
    }) : () -> ()
    return
  }
}

</mosaic_0001>

<sc_bundles>
// kernel: _enc_gather.3.cloned.1.call-start
scs
__scs_entry_jumppad:
0x0: {  	(pc) =	sbr.rel $0x88, $3  }
0x1: {  	(tag) =	ssettag $0x0;
	lr =	simm.s32 $0x1  }
0x2: {  	[smem:$0x3F9D] =	sst lr;
	_ =	strace $0xD0000000  }
0x3: {  	_ = 	snop  }
0x4: {  	_ = 	snop  }
0x5: {  	_ = 	snop  }
0x6: {  	_ = 	snop  }
0x7: {  	_ = 	snop  }
__scs_overlays_trampoline_lowered:
0x8: {  	[smem:$0x3FAC] =	sst s0  }
0x9: {  	[smem:$0x3FAD] =	sst s1  }
0xa: {  	[smem:$0x3FAE] =	sst s2  }
0xb: {  	[smem:$0x3FAF] =	sst s3  }
0xc: {  	[smem:$0x3FB0] =	sst s4  }
0xd: {  	[smem:$0x3FB1] =	sst s5  }
0xe: {  	[smem:$0x3FB2] =	sst s6  }
0xf: {  	[smem:$0x3FB3] =	sst s7  }
0x10: {  	[smem:$0x3FB4] =	sst s8  }
0x11: {  	[smem:$0x3FB5] =	sst s9;
	s0 =	simm.s32 @!p0 $0x0  }
0x12: {  	s1 =	sld [smem:$0x3F9B];
	s0 =	simm.s32 @p0 $0x1  }
0x13: {  	[smem:$0x3FB6] =	sst s0;
	s0 =	simm.s32 @!p1 $0x0  }
0x14: {  	s2 =	sld [smem:$0x3F9A];
	s0 =	simm.s32 @p1 $0x1  }
0x15: {  	[smem:$0x3FB7] =	sst s0;
	s0 =	simm.s32 @!p2 $0x0  }
0x16: {  	s3 =	sld [smem:$0x3FDB];
	s0 =	simm.s32 @p2 $0x1  }
0x17: {  	s4 =	simm.s32 $0x1BF5;
	[smem:$0x3FB9] =	sst s0  }
0x18: {  	s0 =	sld [smem:$0x3F9C];
	_ =	swait.ge [sflag:s4], $0x0  }
0x19: {  	s7 =	sld [smem:$0x3F9D]  }
0x1a: {  	s8 =	sadd.s32 $0xFFFFE003, lr  }
0x1b: {  	s9 =	sadd.s32 $0xFFFFFEF7, lr;
	s5 =	simm.s32 $0xFFFFFFFF;
	p2 =	slt.u32 s8, $0xFFFFF086  }
0x1c: {  	p1 =	slt.u32 s9, $0xF7A;
	s5 =	simm.s32 @!p2 $0x0  }
0x1d: {  	s5 =	simm.s32 @p1 $0x1;
	p0 =	seq.s32 s7, s2  }
0x1e: {  	s7 =	smul.u32 @!p0 $0xF7A, s2;
	p2 =	seq.s32 @!p0 s5, $0x0  }
0x1f: {  	s9 =	smul.u32 $0xF7A, s1;
	s8 =	simm.s32 @!p0 $0x1BF5;
	p2 =	por !p2, p0  }
0x20: {  	[sflag:s8] =	ssyncset.s32 @!p0 $0xFFFFF086;
	s6 =	sadd.s32 @!p0 s3, s7;
	s7 =	simm.s32 @!p0 $0x108  }
0x21: {  	s3 =	sadd.s32 s3, s9;
	s6 =	sadd.s32 @!p0 $0x88, s6;
	s7 =	simm.s32 @p2 $0x1082  }
0x22: {  	[simem:s7], [sflag:s8] =	dma.local @!p0 [hbm:s6], $0xF7A  }
0x23: {  	s9 =	sor.u32 $0xD0000000, s2;
	s6 =	simm.s32 $0x108;
	_ =	swait.ge @!p0 [sflag:s8], $0x0  }
0x24: {  	s3 =	sadd.s32 $0x88, s3;
	s6 =	simm.s32 @!p1 $0x1082;
	[sflag:s4] =	ssyncset.s32 $0xFFFFF086  }
0x25: {  	[simem:s6], [sflag:s4] =	dma.local [hbm:s3], $0xF7A  }
0x26: {  	[smem:$0x3F9D] =	sst s1;
	(tag) =	ssettag s2;
	_ =	strace s9  }
0x27: {  	s1 =	sld [smem:$0x3FAD]  }
0x28: {  	s2 =	sld [smem:$0x3FAE]  }
0x29: {  	s4 =	sld [smem:$0x3FB0]  }
0x2a: {  	p0 =	seq.s32 s5, $0x0;
	s5 =	sld [smem:$0x3FB1]  }
0x2b: {  	s6 =	sld [smem:$0x3FB2]  }
0x2c: {  	s7 =	sld [smem:$0x3FB3]  }
0x2d: {  	s3 =	simm.s32 $0x108;
	s8 =	sld [smem:$0x3FB4]  }
0x2e: {  	s3 =	simm.s32 @!p0 $0x1082;
	s9 =	sld [smem:$0x3FB5]  }
0x2f: {  	lr =	sadd.s32 s0, s3;
	s0 =	sld [smem:$0x3FAC]  }
0x30: {  	s3 =	sld [smem:$0x3FAF]  }
0x31: {  	[smem:$0x3FB8] =	sst s10  }
0x32: {  	s10 =	sld [smem:$0x3FB6];
	_ =	sdelay $0x3  }
0x33: {  	p0 =	seq.s32 s10, $0x1;
	s10 =	sld [smem:$0x3FB8];
	_ =	sdelay $0x3  }
0x34: {  	[smem:$0x3FB8] =	sst s10  }
0x35: {  	s10 =	sld [smem:$0x3FB7];
	_ =	sdelay $0x3  }
0x36: {  	p1 =	seq.s32 s10, $0x1;
	s10 =	sld [smem:$0x3FB8];
	_ =	sdelay $0x3  }
0x37: {  	[smem:$0x3FB8] =	sst s10  }
0x38: {  	s10 =	sld [smem:$0x3FB9]  }
0x39: {  	_ = 	snop;
	(pc) =	sbr.ind lr, $3  }
0x3a: {  	_ = 	snop  }
0x3b: {  	_ = 	snop  }
0x3c: {  	p2 =	seq.s32 s10, $0x1;
	s10 =	sld [smem:$0x3FB8]  }
0x3d: {  	_ =	shalt  }
0x3e: {  	_ =	shalt  }
0x3f: {  	_ =	shalt  }
0x40: {  	_ =	shalt  }
0x41: {  	_ =	shalt  }
0x42: {  	_ =	shalt  }
0x43: {  	_ =	shalt  }
0x44: {  	_ =	shalt  }
0x45: {  	_ =	shalt  }
0x46: {  	_ =	shalt  }
0x47: {  	_ =	shalt  }
0x48: {  	_ =	shalt  }
0x49: {  	_ =	shalt  }
0x4a: {  	_ =	shalt  }
0x4b: {  	_ =	shalt  }
0x4c: {  	_ =	shalt  }
0x4d: {  	_ =	shalt  }
0x4e: {  	_ =	shalt  }
0x4f: {  	_ =	shalt  }
0x50: {  	_ =	shalt  }
0x51: {  	_ =	shalt  }
0x52: {  	_ =	shalt  }
0x53: {  	_ =	shalt  }
0x54: {  	_ =	shalt  }
0x55: {  	_ =	shalt  }
0x56: {  	_ =	shalt  }
0x57: {  	_ =	shalt  }
0x58: {  	_ =	shalt  }
0x59: {  	_ =	shalt  }
0x5a: {  	_ =	shalt  }
0x5b: {  	_ =	shalt  }
0x5c: {  	_ =	shalt  }
0x5d: {  	_ =	shalt  }
0x5e: {  	_ =	shalt  }
0x5f: {  	_ =	shalt  }
0x60: {  	_ =	shalt  }
0x61: {  	_ =	shalt  }
0x62: {  	_ =	shalt  }
0x63: {  	_ =	shalt  }
0x64: {  	_ =	shalt  }
0x65: {  	_ =	shalt  }
0x66: {  	_ =	shalt  }
0x67: {  	_ =	shalt  }
0x68: {  	_ =	shalt  }
0x69: {  	_ =	shalt  }
0x6a: {  	_ =	shalt  }
0x6b: {  	_ =	shalt  }
0x6c: {  	_ =	shalt  }
0x6d: {  	_ =	shalt  }
0x6e: {  	_ =	shalt  }
0x6f: {  	_ =	shalt  }
0x70: {  	_ =	shalt  }
0x71: {  	_ =	shalt  }
0x72: {  	_ =	shalt  }
0x73: {  	_ =	shalt  }
0x74: {  	_ =	shalt  }
0x75: {  	_ =	shalt  }
0x76: {  	_ =	shalt  }
0x77: {  	_ =	shalt  }
0x78: {  	_ =	shalt  }
0x79: {  	_ =	shalt  }
0x7a: {  	_ =	shalt  }
0x7b: {  	_ =	shalt  }
0x7c: {  	_ =	shalt  }
0x7d: {  	_ =	shalt  }
0x7e: {  	_ =	shalt  }
0x7f: {  	_ =	shalt  }
0x80: {  	_ =	shalt  }
0x81: {  	_ =	shalt  }
0x82: {  	_ =	shalt  }
0x83: {  	_ =	shalt  }
0x84: {  	_ =	shalt  }
0x85: {  	_ =	shalt  }
0x86: {  	_ =	shalt  }
0x87: {  	_ =	shalt  }
.Lfunc_end0:
.L_simem_size_0:
called_computation_lowered:
.L_overlay_start_0:
0x88: {  	s2 =	sld [smem:$0x3FD9]  }
0x89: {  	s3 =	sld [smem:$0x3FFE];
	_ =	sdelay $0x1  }
0x8a: {  	s1 =	srdreg.scid  }
0x8b: {  	s0 =	sand.u32 $0x1, s1  }
0x8c: {  	s14 =	sshll.u32 s0, $0xA;
	s2 =	sadd.s32 s3, s2  }
0x8d: {  	s2 =	sadd.s32 s2, s14  }
0x8e: {  	[smem:$0x3FC4] =	sst s2  }
0x8f: {  	_ = 	snop  }
0x90: {  	s2 =	sld [smem:$0x3FC9]  }
0x91: {  	s15 =	sld [smem:$0x3FD0]  }
0x92: {  	s4 =	sld [smem:$0x3FC8]  }
0x93: {  	s5 =	sld [smem:$0x3FC7]  }
0x94: {  	s7 =	simm.s32 $0xA;
	s8 =	simm.s32 $0x10;
	s6 =	sld [smem:$0x3FC6]  }
0x95: {  	[smem:s8], [sflag:s7] =	dma.local [hbm:s15], $0x1  }
0x96: {  	_ =	swait.eq [sflag:s7], $0x1  }
0x97: {  	s16 =	sld [smem:$0x10];
	[sflag:s7] =	ssyncset.done $0x0  }
0x98: {  	s17 =	sld [smem:$0x11];
	[sflag:s7] =	ssyncadd.s32 $0xFFFFFFFF  }
0x99: {  	s18 =	sld [smem:$0x12];
	(tm) =	ssettm $0x1  }
0x9a: {  	s9 =	sld [smem:$0x3FFB];
	_ =	sdelay $0x3  }
0x9b: {  	_ =	strace s9  }
0x9c: {  	s9 =	sld [smem:$0x3FFC];
	_ =	sdelay $0x3  }
0x9d: {  	_ =	strace s9  }
0x9e: {  	s9 =	sld [smem:$0x3FFD];
	_ =	sdelay $0x3  }
0x9f: {  	_ =	strace s9  }
0xa0: {  	_ =	strace $0x8FFFFFFF  }
0xa1: {  	s19 =	sld [smem:$0x3FDB];
	_ =	sdelay $0x1  }
0xa2: {  	s10 =	simm.s32 $_scs_section_size  }
0xa3: {  	s11 =	simm.s32 $_size__tile_overlayer_lowered;
	s12 =	simm.s32 $_tile_overlayer_lowered  }
0xa4: {  	s22 =	simm.s32 $0x1BFF;
	s21 =	sshll.u32 s12, $0x1;
	s9 =	sadd.s32 s10, s19  }
0xa5: {  	s13 =	simm.s32 $0x0;
	s20 =	sshll.u32 s11, $0x1;
	s11 =	sadd.s32 s21, s9  }
0xa6: {  	[timem:s13], [sflag:s22] =	dma.local [hbm:s11], s20  }
0xa7: {  	_ =	swait.ge [sflag:s22], s20  }
0xa8: {  	s10 =	ssub.s32 $0x0, s20;
	[sflag:s22] =	ssyncset.done $0x0  }
0xa9: {  	[sflag:s22] =	ssyncadd.s32 s10;
	_ =	sdelay $0x1  }
0xaa: {  	s23 =	simm.s32 $0x1B8B  }
0xab: {  	_ =	swait.ge [sflag:s23], $0x1  }
0xac: {  	[sflag:s23] =	ssyncset.done $0x0  }
0xad: {  	s25 =	simm.s32 $0x1B8E;
	s24 =	sld [smem:$0x3FFE];
	[sflag:s23] =	ssyncadd.s32 $0xFFFFFFFF  }
0xae: {  	s26 =	simm.s32 $execute0_lowered;
	[smem:$0x3FD2] =	sst s25  }
0xaf: {  	s11 =	sshll.u32 s26, $0x1;
	_ =	strace $0x80000046;
	[dreg:$0x1] =	wrdreg $0xFFFFFFFF  }
0xb0: {  	s28 =	simm.s32 $_size_execute0_lowered;
	s9 =	sadd.s32 s9, s11;
	[dreg:$0x0] =	wrdreg $0x0  }
0xb1: {  	s11 =	sshll.u32 s28, $0x1;
	[dreg:$0x2] =	wrdreg s9  }
0xb2: {  	[dreg:$0x3] =	wrdreg s11  }
0xb3: {  	[dreg:$0x4] =	wrdreg $0xC0  }
0xb4: {  	_ =	task [dreg:s13], $0x5FFFF  }
0xb5: {  	[dreg:$0x1] =	wrdreg $0xFFFFFFFF  }
0xb6: {  	[dreg:$0x0] =	wrdreg $0x60  }
0xb7: {  	[dreg:$0x2] =	wrdreg s2  }
0xb8: {  	[dreg:$0x3] =	wrdreg s4  }
0xb9: {  	[dreg:$0x4] =	wrdreg s5  }
0xba: {  	[dreg:$0x5] =	wrdreg s6  }
0xbb: {  	[dreg:$0x6] =	wrdreg s16  }
0xbc: {  	[dreg:$0x7] =	wrdreg s17  }
0xbd: {  	[dreg:$0x8] =	wrdreg s18  }
0xbe: {  	[dreg:$0x9] =	wrdreg s24  }
0xbf: {  	[dreg:$0xa] =	wrdreg $0x9  }
0xc0: {  	_ =	task.clear_ibuf [dreg:s13], $0xBFFFF;
	_ =	strace $0x90000046  }
0xc1: {  	s29 =	simm.s32 $0x9;
	_ =	strace $0x80000048  }
0xc2: {  	_ =	swait.ge [sflag:s29], $0x1  }
0xc3: {  	[sflag:s29] =	ssyncadd.s32 $0xFFFFFFFF  }
0xc4: {  	_ =	strace $0x90000048  }
0xc5: {  	_ =	sfence  }
0xc6: {  	s30 =	sld [smem:$0x0];
	_ =	sdelay $0x2  }
0xc7: {  	s31 =	sshll.u32 s1, $0xD;
	s1 =	sshrl.u32 s1, $0x2  }
0xc8: {  	s3 =	sand.u32 $0x4000, s31;
	s1 =	sadd.s32 s1, s30  }
0xc9: {  	s0 =	sor.u32 s3, s0;
	s1 =	sshll.u32 s1, $0x11  }
0xca: {  	s0 =	sor.u32 s1, s0  }
0xcb: {  	s0 =	sadd.s32 $0x8F2B, s0  }
0xcc: {  	[sflag:s0] =	ssyncadd.remote.s32 $0x1  }
0xcd: {  	_ =	sfence.sel $0xFFFF  }
0xce: {  	[dreg:$0x0] =	wrdreg $0xFFFFFFFF;
	(pc) =	sbr.abs _section_cstart, $3  }
0xcf: {  	[dreg:$0x1] =	wrdreg $0xFFFFFFFF  }
0xd0: {  	_ =	task.clear_ibuf [dreg:s13], $0x2FFFF;
	_ =	strace $0x9FFFFFFF  }
0xd1: {  	(tm) =	ssettm $0x7FFFFFFF  }
tec
execute0_lowered:
.L_overlay_start_1:
0x0: {  	(tag) =	ssettag $0x1  }
0x1: {  	s0 =	rddreg [dreg:$0x0]  }
0x2: {  	s4 =	rddreg [dreg:$0x1]  }
0x3: {  	s5 =	rddreg [dreg:$0x2]  }
0x4: {  	s6 =	rddreg [dreg:$0x3]  }
0x5: {  	s7 =	rddreg [dreg:$0x4]  }
0x6: {  	s9 =	rddreg [dreg:$0x5]  }
0x7: {  	s10 =	rddreg [dreg:$0x6]  }
0x8: {  	s8 =	rddreg [dreg:$0x7]  }
0x9: {  	s1 =	rddreg [dreg:$0x8]  }
0xa: {  	s11 =	srdreg.scid;
	s2 =	stileid.u32;
	s3 =	simm.s32 $0x0  }
0xb: {  	s17 =	simm.s32 $0x5180;
	s18 =	simm.s32 $0xF0;
	s19 =	simm.s32 $0x7980  }
0xc: {  	s20 =	simm.s32 $0xA180;
	s21 =	simm.s32 $0xC900;
	s22 =	simm.s32 $0x1  }
0xd: {  	s23 =	simm.s32 $0x2;
	s11 =	sand.u32 $0x1, s11;
	s12 =	sshll.u32 s2, $0x1  }
0xe: {  	s24 =	simm.s32 $0x13F80;
	s26 =	simm.s32 $0x11800;
	s12 =	sor.u32 s11, s12  }
0xf: {  	s28 =	simm.s32 $0x0;
	[smem:$0x7FF] =	sst s3;
	s13 =	smul.u32 $0x28, s12  }
0x10: {  	_ =	strace $0x80000047;
	s11 =	ssub.s32 $0x2, s11;
	s15 =	smul.u32 $0x4E2, s12  }
0x11: {  	s14 =	sshll.u32 s12, $0x4;
	s30 =	sshrl.u32 s11, $0x1;
	s16 =	smul.u32 $0x1400, s12  }
0x12: {  	s31 =	smul.u32 $0x4E4, s12;
	s25 =	sor.u32 $0x200, s12;
	s12 =	simm.s32 $0x3  }
0x13: {  	s8 =	sadd.s32 s14, s8;
	s11 =	ssub.s32 s11, s30;
	s14 =	simm.s32 $0x180  }
0x14: {  	v0 =	vmov s25;
	s25 =	simm.s32 $0xF080;
	s4 =	sadd.s32 s4, s13;
	s5 =	sadd.s32 s5, s15  }
0x15: {  	s6 =	sadd.s32 s6, s15;
	s7 =	sadd.s32 s7, s16;
	s8 =	sadd.s32 $0x800, s8  }
0x16: {  	s9 =	sadd.s32 s9, s31;
	s10 =	sadd.s32 s10, s31;
	s11 =	smax.u32 s11, $0x1  }
0x17: {  	v1 =	vimm.s32 $0x0;
	s13 =	simm.s32 $0x50;
	s15 =	simm.s32 $0x2980;
	s16 =	simm.s32 $0xA0  }
.LBB2_1:
0x18: {  	[tilespmem:s3], [sflag:$0x3] =	stream.linear.gather [hbm4b:s4+s3], $0x140, $0x38;
	[tilespmem:$0x14000] =	vst v63  }
0x19: {  	_ =	swait.ge [sflag:s12], $0x140  }
0x1a: {  	[sflag:s12] =	ssyncset.done $0x0  }
0x1b: {  	[sflag:s12] =	ssyncadd.s32 $0xFFFFFEC0  }
0x1c: {  	[tilespmem:s14], [sflag:$0x1] =	stream.indirect.gather [hbm4b:s0+s13], $0x80, s3, s13, $0xb8;
	[tilespmem:$0x14000] =	vst v63  }
0x1d: {  	_ = 	snop  }
0x1e: {  	[tilespmem:s15], [sflag:$0x1] =	stream.indirect.gather [hbm4b:s0+s13], $0x80, s13, s13, $0xb8;
	[tilespmem:$0x14000] =	vst v63  }
0x1f: {  	_ = 	snop  }
0x20: {  	[tilespmem:s17], [sflag:$0x1] =	stream.indirect.gather [hbm4b:s0+s13], $0x80, s16, s13, $0xb8;
	[tilespmem:$0x14000] =	vst v63  }
0x21: {  	_ = 	snop  }
0x22: {  	[tilespmem:s19], [sflag:$0x1] =	stream.indirect.gather [hbm4b:s0+s13], $0x80, s18, s13, $0xb8;
	[tilespmem:$0x14000] =	vst v63  }
0x23: {  	_ = 	snop  }
0x24: {  	[tilespmem:s20], [sflag:$0x2] =	stream.linear.gather [hbm4b:s5+s3], $0x2710, $0x38;
	[tilespmem:$0x14000] =	vst v63  }
0x25: {  	_ = 	snop  }
0x26: {  	[tilespmem:s21], [sflag:$0x2] =	stream.linear.gather [hbm4b:s6+s3], $0x2710, $0x38;
	[tilespmem:$0x14000] =	vst v63  }
0x27: {  	_ =	swait.ge [sflag:s22], $0x2800  }
0x28: {  	[sflag:s22] =	ssyncset.done $0x0  }
0x29: {  	[sflag:s22] =	ssyncadd.s32 $0xFFFFD800  }
0x2a: {  	_ =	swait.ge [sflag:s22], $0x2800  }
0x2b: {  	[sflag:s22] =	ssyncset.done $0x0  }
0x2c: {  	[sflag:s22] =	ssyncadd.s32 $0xFFFFD800  }
0x2d: {  	_ =	swait.ge [sflag:s22], $0x2800  }
0x2e: {  	[sflag:s22] =	ssyncset.done $0x0  }
0x2f: {  	[sflag:s22] =	ssyncadd.s32 $0xFFFFD800  }
0x30: {  	_ =	swait.ge [sflag:s22], $0x2800  }
0x31: {  	[sflag:s22] =	ssyncset.done $0x0  }
0x32: {  	[sflag:s22] =	ssyncadd.s32 $0xFFFFD800  }
0x33: {  	[hbm4b:s7+s3] =	stream.linear.scatter [tilespmem:s14], [sflag:$0x3], $0xA000, $0x38;
	[tilespmem:$0x14000] =	vst v63  }
0x34: {  	_ =	swait.ge [sflag:s12], $0xA000  }
0x35: {  	[sflag:s12] =	ssyncset.done $0x0  }
0x36: {  	[sflag:s12] =	ssyncadd.s32 $0xFFFF6000  }
0x37: {  	_ =	swait.ge [sflag:s23], $0x2710  }
0x38: {  	[sflag:s23] =	ssyncset.done $0x0  }
0x39: {  	[sflag:s23] =	ssyncadd.s32 $0xFFFFD8F0  }
0x3a: {  	_ =	swait.ge [sflag:s23], $0x2710  }
0x3b: {  	[sflag:s23] =	ssyncset.done $0x0  }
0x3c: {  	s29 =	simm.s32 $0x0;
	[sflag:s23] =	ssyncadd.s32 $0xFFFFD8F0  }
.LBB2_2:
0x3d: {  	p0 =	sne.s32 s29, $0x9C40  }
.Ltmp0:
0x3e: {  	_ = 	snop;
	(pc) =	sbr.rel @p0 .LBB2_2-.Ltmp0, $4  }
0x3f: {  	_ = 	snop  }
0x40: {  	s30 =	sshra.s32 s29, $0x2  }
0x41: {  	[tilespmem:s30+$0xF080] =	vst v1  }
0x42: {  	s29 =	sadd.s32 $0x40, s29;
	[tilespmem:s30+$0x11800] =	vst v0  }
0x43: {  	s29 =	simm.s32 $0x0  }
0x44: {  	v2 =	vld [tilespmem:s29+$0xC900];
	_ =	sdelay $0x4  }
0x45: {  	vm0 =	vlt.s32 v2, $0x200  }
0x46: {  	v4 =	vmpcnt.ones.xlane vm0;
	_ =	sdelay $0x1  }
0x47: {  	(v2sf) =	vpush v4, $0x0  }
0x48: {  	v3 =	vld [tilespmem:s29+$0xA180];
	_ =	sdelay $0x3  }
0x49: {  	s29 =	simm.s32 $0x0  }
0x4a: {  	[tilespmem:s29+$0xF080] =	vst.msk vm0, v3  }
0x4b: {  	s31 =	simm.s32 $0x10;
	s30 =	simm.s32 $0x80;
	[tilespmem:s29+$0x11800] =	vst.msk vm0, v2  }
.LBB2_4:
0x4c: {  	p0 =	sne.s32 s30, $0x9C00;
	v2 =	vld [tilespmem:s31+$0xC900];
	_ =	sdelay $0x3  }
0x4d: {  	v3 =	vld [tilespmem:s31+$0xA180]  }
0x4e: {  	vm0 =	vlt.s32 v2, $0x200  }
0x4f: {  	v4 =	vmpcnt.ones.xlane vm0  }
0x50: {  	s31 =	spop (v2sf)  }
0x51: {  	(v2sf) =	vpush v4, $0x0;
	s29 =	sadd.s32 s29, s31  }
0x52: {  	[tilespmem:s29+$0xF080] =	vst.msk vm0, v3  }
0x53: {  	[tilespmem:s29+$0x11800] =	vst.msk vm0, v2  }
.Ltmp1:
0x54: {  	(pc) =	sbr.rel @p0 .LBB2_4-.Ltmp1, $2  }
0x55: {  	_ =	sdelay $0x2  }
0x56: {  	s31 =	sshra.s32 s30, $0x2;
	s30 =	sadd.s32 $0x40, s30  }
0x57: {  	v2 =	vld [tilespmem:s31+$0xC900];
	_ =	sdelay $0x4  }
0x58: {  	vm0 =	vlt.s32 v2, $0x200  }
0x59: {  	v3 =	vmpcnt.ones.xlane vm0;
	_ =	sdelay $0x1  }
0x5a: {  	(v2sf) =	vpush v3, $0x0;
	_ =	sdelay $0xa  }
0x5b: {  	v3 =	vld [tilespmem:s31+$0xA180];
	_ =	sdelay $0x2  }
0x5c: {  	s30 =	spop (v2sf)  }
0x5d: {  	s29 =	sadd.s32 s29, s30;
	s31 =	spop (v2sf)  }
0x5e: {  	[tilespmem:s29+$0xF080] =	vst.msk vm0, v3;
	s30 =	sadd.s32 s29, s31  }
0x5f: {  	[tilespmem:s29+$0x11800] =	vst.msk vm0, v2;
	v2 =	vmov s30  }
0x60: {  	[tilespmem:$0x13F80] =	vst v2  }
0x61: {  	[hbm4b:s8+s3] =	stream.linear.scatter [tilespmem:s24], [sflag:$0x3], $0x80, $0x38;
	[tilespmem:$0x14000] =	vst v63  }
0x62: {  	_ =	swait.ge [sflag:s12], $0x80  }
0x63: {  	[sflag:s12] =	ssyncset.done $0x0  }
0x64: {  	[sflag:s12] =	ssyncadd.s32 $0xFFFFFF80  }
0x65: {  	[hbm4b:s9+s3] =	stream.linear.scatter [tilespmem:s25], [sflag:$0x3], $0x2720, $0x38;
	[tilespmem:$0x14000] =	vst v63  }
0x66: {  	s28 =	sadd.s32 $0x1, s28;
	_ =	swait.ge [sflag:s12], $0x2720  }
0x67: {  	p0 =	sne.s32 s28, s11;
	[sflag:s12] =	ssyncset.done $0x0  }
.Ltmp2:
0x68: {  	[sflag:s12] =	ssyncadd.s32 $0xFFFFD8E0;
	(pc) =	sbr.rel @p0 .LBB2_1-.Ltmp2, $4  }
0x69: {  	[hbm4b:s10+s3] =	stream.linear.scatter [tilespmem:s26], [sflag:$0x3], $0x2720, $0x38;
	[tilespmem:$0x14000] =	vst v63  }
0x6a: {  	_ =	swait.ge [sflag:s12], $0x2720  }
0x6b: {  	[sflag:s12] =	ssyncset.done $0x0  }
0x6c: {  	[sflag:s12] =	ssyncadd.s32 $0xFFFFD8E0  }
0x6d: {  	_ =	sfence.sel $0x180000  }
0x6e: {  	[bflag:$0x0] =	sbarrier.arrive $0xFFFF  }
0x6f: {  	p0 =	sne.s32 s2, $0x0;
	_ =	strace $0x90000047  }
0x70: {  	s0 =	sadd.s32 @!p0 $0x100000, s1;
	[bflag:$0x2] =	sbarrier.arrive $0xFFFF  }
0x71: {  	[sflag:s0] =	ssyncadd.tile.s32 @!p0 $0x1;
	_ =	shalt  }
.Lfunc_end2:
_tile_overlayer_lowered:
.L_overlay_start_2:
0x72: {  	(tag) =	ssettag $0x2  }
0x73: {  	s0 =	rddreg [dreg:$0x0];
	s2 =	stileid.u32  }
0x74: {  	s1 =	rddreg [dreg:$0x1];
	p0 =	sne.s32 s2, $0x0  }
0x75: {  	s3 =	rddreg [dreg:$0x2];
	[bflag:$0x3] =	sbarrier.arrive $0xFFFF;
	s2 =	simm.s32 @!p0 $0x1C03  }
0x76: {  	[timem:s3], [sflag:s2] =	dma.local @!p0 [hbm:s0], s1  }
0x77: {  	s0 =	simm.s32 @!p0 $0x3  }
0x78: {  	_ =	swait.ge @!p0 [sflag:s0], s1  }
0x79: {  	s1 =	ssub.s32 @!p0 $0x0, s1;
	[sflag:s0] =	ssyncset.done @!p0 $0x0  }
0x7a: {  	[sflag:s0] =	ssyncadd.s32 @!p0 s1  }
0x7b: {  	[bflag:$0x3] =	sbarrier.arrive $0xFFFF  }
0x7c: {  	_ =	shalt  }

</sc_bundles>
